<compile_context>
chip_gen: v7x
topology: tpu7x:2x2x1
jax: 0.10.2.dev20260603
libtpu: 0.0.44.dev20260713+nightly
codegen_flags: <defaults>
</compile_context>

<pallas_src>
import functools

import jax
import jax.numpy as jnp
from jax import lax
from jax.experimental import pallas as pl
from jax.experimental.pallas import tpu as pltpu
from jax.experimental.pallas import tpu_sc as plsc

B, N, K, D = 4, 4096, 4096, 3
KT = 256
NK = K // KT
H1, H2, OUT = 512, 256, 256
IN = K + K * D
RW = 16

NC, NS = 2, 16
NW = NC * NS
CH = (B * K) // NW


def _nn_body(basis_ref, pc_ref, dists_ref, idx_ref):
    b = pl.program_id(0)
    c = basis_ref[...]
    p = pc_ref[0]
    pc2 = p[0:1, :] * p[0:1, :] + p[1:2, :] * p[1:2, :] + p[2:3, :] * p[2:3, :]
    bs2 = c[:, 0:1] * c[:, 0:1] + c[:, 1:2] * c[:, 1:2] + c[:, 2:3] * c[:, 2:3]
    crossn = jnp.dot((-2.0 * c).astype(jnp.bfloat16), p.astype(jnp.bfloat16),
                     preferred_element_type=jnp.float32)
    raw = (pc2 + bs2) + crossn
    mn = jnp.min(raw, axis=1, keepdims=True)
    thresh = jnp.maximum(mn, 0.0)
    fiota = lax.broadcasted_iota(jnp.int32, (1, N), 1).astype(jnp.float32)
    fidx = jnp.min(jnp.where(raw <= thresh, fiota, jnp.float32(N)), axis=1)
    dists_ref[0, 0, :] = jnp.sqrt(jnp.maximum(mn[:, 0], 1e-12))
    idx_ref[0, 0, :] = fidx.astype(jnp.int32) + b * N


def _nearest_tc(pc_pad, basis_pad):
    grid = (B, NK)
    out_shapes = (
        jax.ShapeDtypeStruct((B * NK, 1, KT), jnp.float32),
        jax.ShapeDtypeStruct((B * NK, 1, KT), jnp.int32),
    )
    dists3, idx3 = pl.pallas_call(
        _nn_body,
        grid=grid,
        in_specs=[
            pl.BlockSpec((KT, 8), lambda b, i: (i, 0)),
            pl.BlockSpec((1, 8, N), lambda b, i: (b, 0, 0)),
        ],
        out_specs=(
            pl.BlockSpec((1, 1, KT), lambda b, i: (b * NK + i, 0, 0)),
            pl.BlockSpec((1, 1, KT), lambda b, i: (b * NK + i, 0, 0)),
        ),
        out_shape=out_shapes,
    )(basis_pad, pc_pad)
    return dists3.reshape(B, K), idx3.reshape(B * K)


def _sc_gather_build():
    mesh = plsc.VectorSubcoreMesh(core_axis_name="c", subcore_axis_name="s")

    @functools.partial(
        pl.kernel,
        mesh=mesh,
        out_type=jax.ShapeDtypeStruct((B * K, RW), jnp.float32),
        compiler_params=pltpu.CompilerParams(use_tc_tiling_on_sc=False),
        scratch_types=[
            pltpu.VMEM((CH,), jnp.int32),
            pltpu.VMEM((CH, RW), jnp.float32),
            pltpu.SemaphoreType.DMA,
        ],
    )
    def sc_gather(rows_hbm, idx_hbm, out_hbm, idx_v, rows_v, sem):
        wid = lax.axis_index("s") * NC + lax.axis_index("c")
        base = wid * CH
        pltpu.sync_copy(idx_hbm.at[pl.ds(base, CH)], idx_v)
        pltpu.async_copy(rows_hbm.at[idx_v], rows_v, sem).wait()
        pltpu.sync_copy(rows_v, out_hbm.at[pl.ds(base, CH)])

    return sc_gather


_sc_gather_cache = []


def _sc_gather(*args):
    if not _sc_gather_cache:
        _sc_gather_cache.append(_sc_gather_build())
    return _sc_gather_cache[0](*args)


def _lrelu_k(x):
    return jnp.where(x >= 0, x, 0.2 * x)


def _mlp_body(dists_ref, near_ref, bflat_ref, w1_ref, b1_ref, w2_ref, b2_ref,
              w3_ref, b3_ref, out_ref, feat_ref):
    bf16, f32 = jnp.bfloat16, jnp.float32
    feat = jnp.concatenate(
        [dists_ref[...], near_ref[...] - bflat_ref[...]], axis=1)
    feat_ref[...] = feat
    h = jnp.dot(feat.astype(bf16), w1_ref[...], preferred_element_type=f32)
    h = _lrelu_k(h + b1_ref[...])
    h = jnp.dot(h.astype(bf16), w2_ref[...], preferred_element_type=f32)
    h = _lrelu_k(h + b2_ref[...])
    h = jnp.dot(h.astype(bf16), w3_ref[...], preferred_element_type=f32)
    out_ref[...] = h + b3_ref[...]


def _mlp_tc(dists_p, near_p, bflat, w1t, b1r, w2t, b2r, w3t, b3r):
    return pl.pallas_call(
        _mlp_body,
        out_shape=(
            jax.ShapeDtypeStruct((8, OUT), jnp.float32),
            jax.ShapeDtypeStruct((8, IN), jnp.float32),
        ),
    )(dists_p, near_p, bflat, w1t, b1r, w2t, b2r, w3t, b3r)


def kernel(point_cloud, basis, W1, b1, W2, b2, W3, b3):
    f32 = jnp.float32
    pc_t = point_cloud.transpose(0, 2, 1)
    pc_pad = jnp.zeros((B, 8, N), f32).at[:, :3, :].set(pc_t)
    basis_pad = jnp.zeros((K, 8), f32).at[:, :3].set(basis)
    pc_rows = jnp.zeros((B * N, RW), f32).at[:, :3].set(
        point_cloud.reshape(B * N, 3))

    dists, idx = _nearest_tc(pc_pad, basis_pad)

    near_rows = _sc_gather(pc_rows, idx)
    near3 = near_rows[:, :D].reshape(B, K * D)

    dists_p = jnp.zeros((8, K), f32).at[:B].set(dists)
    near_p = jnp.zeros((8, K * D), f32).at[:B].set(near3)
    out, feat = _mlp_tc(
        dists_p, near_p, basis.reshape(1, K * D),
        W1.T.astype(jnp.bfloat16), b1.reshape(1, H1),
        W2.T.astype(jnp.bfloat16), b2.reshape(1, H2),
        W3.T.astype(jnp.bfloat16), b3.reshape(1, OUT),
    )
    return out[:B], feat[:B, None, :]

# --- scband reference (transcript-rebuilt; emitter-appended) ---
"""Pipeline reference for scband-bpsencoder-62414464745827 (READ-ONLY COPY).

The authoritative reference and input builder live on the scoring server;
editing this copy changes nothing except your own understanding.
"""

import jax, jax.numpy as jnp
import numpy as np

B, N, K, D = 4, 4096, 4096, 3
H1, H2, OUT = 512, 256, 256
IN = K + K * D  # dists + deltas


def setup_inputs(seed: int = 0) -> dict:
    key = jax.random.key(seed)
    ks = jax.random.split(key, 8)
    point_cloud = jax.random.normal(ks[0], (B, N, D), dtype=jnp.float32)
    # BPS basis: random uniform inside unit ball (radius=1.0), fixed buffer
    dirs = jax.random.normal(ks[1], (K, D), dtype=jnp.float32)
    dirs = dirs / (jnp.linalg.norm(dirs, axis=-1, keepdims=True) + 1e-8)
    r = jax.random.uniform(ks[2], (K, 1), dtype=jnp.float32) ** (1.0 / 3.0)
    basis = dirs * r
    W1 = jax.random.normal(ks[3], (H1, IN), dtype=jnp.float32) * (1.0 / np.sqrt(IN))
    b1 = jnp.zeros((H1,), jnp.float32)
    W2 = jax.random.normal(ks[4], (H2, H1), dtype=jnp.float32) * (1.0 / np.sqrt(H1))
    b2 = jnp.zeros((H2,), jnp.float32)
    W3 = jax.random.normal(ks[5], (OUT, H2), dtype=jnp.float32) * (1.0 / np.sqrt(H2))
    b3 = jnp.zeros((OUT,), jnp.float32)
    return {"point_cloud": point_cloud, "basis": basis, "W1": W1, "b1": b1, "W2": W2, "b2": b2, "W3": W3, "b3": b3}


def _lrelu(x):
    return jnp.where(x >= 0, x, 0.2 * x)


def reference(point_cloud, basis, W1, b1, W2, b2, W3, b3):
    # 1-NN retrieval from each basis point into the point cloud (BPS encoding)
    pc2 = jnp.sum(point_cloud ** 2, axis=-1)          # [B, N]
    bs2 = jnp.sum(basis ** 2, axis=-1)                # [K]
    cross = jnp.einsum('bnd,kd->bkn', point_cloud, basis)  # [B, K, N]
    sqd = pc2[:, None, :] + bs2[None, :, None] - 2.0 * cross
    sqd = jnp.maximum(sqd, 0.0)
    idx = jnp.argmin(sqd, axis=-1)                    # [B, K]
    min_sqd = jnp.take_along_axis(sqd, idx[..., None], axis=-1)[..., 0]
    dists = jnp.sqrt(jnp.maximum(min_sqd, 1e-12))     # [B, K]
    nearest = jnp.take_along_axis(point_cloud, idx[..., None], axis=1)  # [B, K, D]
    deltas = nearest - basis[None, :, :]              # [B, K, D]
    bps_feature = jnp.concatenate([dists, deltas.reshape(point_cloud.shape[0], -1)], axis=-1)  # [B, K + K*D]
    h = _lrelu(bps_feature @ W1.T + b1)
    h = _lrelu(h @ W2.T + b2)
    global_feature = h @ W3.T + b3
    return global_feature, bps_feature[:, None, :]

if __name__ == "__main__":
    import jax
    _d = setup_inputs()
    print(jax.jit(kernel)(*tuple(_d.values())))

</pallas_src>

<mosaic_0001>
#map = affine_map<(d0, d1) -> (0, 0)>
#map1 = affine_map<(d0, d1) -> (0)>
module attributes {stable_mosaic.version = 14 : i64} {
  func.func @sc_gather(%arg0: i32, %arg1: i32, %arg2: memref<16384x16xf32, #tpu.memory_space<hbm>>, %arg3: memref<16384xi32, #tpu.memory_space<hbm>>, %arg4: memref<16384x16xf32, #tpu.memory_space<hbm>>, %arg5: memref<512xi32, #tpu.memory_space<vmem>>, %arg6: memref<512x16xf32, #tpu.memory_space<vmem>>, %arg7: memref<!tpu.dma_semaphore, #tpu.memory_space<semaphore_mem>>) attributes {dimension_semantics = [#tpu.dimension_semantics<core_parallel>, #tpu.dimension_semantics<subcore_parallel>], iteration_bounds = array<i64: 2, 16>, scalar_prefetch = 0 : i64, scratch_operands = 3 : i64, tpu.core_type = #tpu.core_type<sc_vector_subcore>, window_params = [{transform_indices = #map}, {transform_indices = #map1}, {transform_indices = #map}]} {
    %mul3A = arith.constant 2 : i32
    %mul3A_0 = arith.muli %arg1, %mul3A : i32
    %add3A = arith.addi %mul3A_0, %arg0 : i32
    %mul3A_1 = arith.constant 512 : i32
    %mul3A_2 = arith.muli %add3A, %mul3A_1 : i32
    "tpu.region"() ({
      %run_scoped3A = tpu.sem_alloc : memref<!tpu.dma_semaphore, #tpu.memory_space<semaphore_mem>>
      %dma_start3A_7 = tpu.memref_slice %arg3[%mul3A_2] : memref<16384xi32, #tpu.memory_space<hbm>> -> memref<512xi32, #tpu.memory_space<hbm>>
      %dma_start3A_8 = tpu.memref_slice %arg3[%mul3A_2] : memref<16384xi32, #tpu.memory_space<hbm>> -> memref<512xi32, #tpu.memory_space<hbm>>
      tpu.enqueue_dma source(%dma_start3A_8 : memref<512xi32, #tpu.memory_space<hbm>>) target(%arg5 : memref<512xi32, #tpu.memory_space<vmem>>) target_semaphore(%run_scoped3A : memref<!tpu.dma_semaphore, #tpu.memory_space<semaphore_mem>>)
      %dma_wait3A_9 = tpu.memref_slice %arg3[%mul3A_2] : memref<16384xi32, #tpu.memory_space<hbm>> -> memref<512xi32, #tpu.memory_space<hbm>>
      %dma_wait3A_10 = tpu.memref_slice %arg3[%mul3A_2] : memref<16384xi32, #tpu.memory_space<hbm>> -> memref<512xi32, #tpu.memory_space<hbm>>
      tpu.wait_dma2 semaphore(%run_scoped3A : memref<!tpu.dma_semaphore, #tpu.memory_space<semaphore_mem>>) src(%dma_wait3A_10 : memref<512xi32, #tpu.memory_space<hbm>>) dst(%arg5 : memref<512xi32, #tpu.memory_space<vmem>>)
      tpu.yield
    }) : () -> ()
    %dma_start3A = arith.constant 0 : i32
    %dma_start3A_3 = arith.constant 0 : i32
    %dma_start3A_4 = tpu.memref_slice %arg2[%dma_start3A, %dma_start3A_3] : memref<16384x16xf32, #tpu.memory_space<hbm>> -> memref<16384x16xf32, #tpu.memory_space<hbm>>
    tpu.enqueue_indirect_dma source(%dma_start3A_4 : memref<16384x16xf32, #tpu.memory_space<hbm>>) target(%arg6 : memref<512x16xf32, #tpu.memory_space<vmem>>) offsets(%arg5 : memref<512xi32, #tpu.memory_space<vmem>>) semaphore(%arg7 : memref<!tpu.dma_semaphore, #tpu.memory_space<semaphore_mem>>)
    %dma_wait3A = arith.constant 0 : i32
    %dma_wait3A_5 = arith.constant 0 : i32
    %dma_wait3A_6 = tpu.memref_slice %arg2[%dma_wait3A, %dma_wait3A_5] : memref<16384x16xf32, #tpu.memory_space<hbm>> -> memref<16384x16xf32, #tpu.memory_space<hbm>>
    tpu.wait_indirect_dma semaphore(%arg7 : memref<!tpu.dma_semaphore, #tpu.memory_space<semaphore_mem>>) src(%dma_wait3A_6 : memref<16384x16xf32, #tpu.memory_space<hbm>>) dst(%arg6 : memref<512x16xf32, #tpu.memory_space<vmem>>)
    "tpu.region"() ({
      %run_scoped3A = tpu.sem_alloc : memref<!tpu.dma_semaphore, #tpu.memory_space<semaphore_mem>>
      %dma_start3A_7 = arith.constant 0 : i32
      %dma_start3A_8 = tpu.memref_slice %arg4[%mul3A_2, %dma_start3A_7] : memref<16384x16xf32, #tpu.memory_space<hbm>> -> memref<512x16xf32, #tpu.memory_space<hbm>>
      %dma_start3A_9 = arith.constant 0 : i32
      %dma_start3A_10 = tpu.memref_slice %arg4[%mul3A_2, %dma_start3A_9] : memref<16384x16xf32, #tpu.memory_space<hbm>> -> memref<512x16xf32, #tpu.memory_space<hbm>>
      tpu.enqueue_dma source(%arg6 : memref<512x16xf32, #tpu.memory_space<vmem>>) target(%dma_start3A_10 : memref<512x16xf32, #tpu.memory_space<hbm>>) target_semaphore(%run_scoped3A : memref<!tpu.dma_semaphore, #tpu.memory_space<semaphore_mem>>)
      %dma_wait3A_11 = arith.constant 0 : i32
      %dma_wait3A_12 = tpu.memref_slice %arg4[%mul3A_2, %dma_wait3A_11] : memref<16384x16xf32, #tpu.memory_space<hbm>> -> memref<512x16xf32, #tpu.memory_space<hbm>>
      %dma_wait3A_13 = arith.constant 0 : i32
      %dma_wait3A_14 = tpu.memref_slice %arg4[%mul3A_2, %dma_wait3A_13] : memref<16384x16xf32, #tpu.memory_space<hbm>> -> memref<512x16xf32, #tpu.memory_space<hbm>>
      tpu.wait_dma2 semaphore(%run_scoped3A : memref<!tpu.dma_semaphore, #tpu.memory_space<semaphore_mem>>) src(%arg6 : memref<512x16xf32, #tpu.memory_space<vmem>>) dst(%dma_wait3A_14 : memref<512x16xf32, #tpu.memory_space<hbm>>)
      tpu.yield
    }) : () -> ()
    return
  }
}

module attributes {stable_mosaic.version = 14 : i64} {
  func.func @_nn_body(%arg0: i32, %arg1: i32, %arg2: memref<256x8xf32, #tpu.memory_space<vmem>>, %arg3: memref<1x8x4096xf32, #tpu.memory_space<vmem>>, %arg4: memref<1x1x256xf32, #tpu.memory_space<vmem>>, %arg5: memref<1x1x256xi32, #tpu.memory_space<vmem>>) attributes {dimension_semantics = [#tpu.dimension_semantics<arbitrary>, #tpu.dimension_semantics<arbitrary>], iteration_bounds = array<i64: 4, 16>, scalar_prefetch = 0 : i64, scratch_operands = 0 : i64, tpu.core_type = #tpu.core_type<tc>, window_params = [{transform_indices = @transform_0, window_bounds = array<i64: 256, 8>}, {transform_indices = @transform_1, window_bounds = array<i64: 1, 8, 4096>}, {transform_indices = @transform_2, window_bounds = array<i64: 1, 1, 256>}, {transform_indices = @transform_3, window_bounds = array<i64: 1, 1, 256>}]} {
    %get3A = arith.constant 0 : index
    %get3A_0 = arith.constant 0 : index
    %get3A_1 = vector.load %arg2[%get3A, %get3A_0] : memref<256x8xf32, #tpu.memory_space<vmem>>, vector<256x8xf32>
    %get3A_2 = arith.constant 0 : index
    %get3A_3 = arith.constant 0 : index
    %get3A_4 = arith.constant 0 : index
    %get3A_5 = vector.load %arg3[%get3A_2, %get3A_3, %get3A_4] : memref<1x8x4096xf32, #tpu.memory_space<vmem>>, vector<1x8x4096xf32>
    %get3A_6 = vector.shape_cast %get3A_5 : vector<1x8x4096xf32> to vector<8x4096xf32>
    %slice3A = vector.extract_strided_slice %get3A_6 {offsets = [0, 0], sizes = [1, 4096], strides = [1, 1]} : vector<8x4096xf32> to vector<1x4096xf32>
    %slice3A_7 = vector.extract_strided_slice %get3A_6 {offsets = [0, 0], sizes = [1, 4096], strides = [1, 1]} : vector<8x4096xf32> to vector<1x4096xf32>
    %mul3A = arith.mulf %slice3A, %slice3A_7 : vector<1x4096xf32>
    %slice3A_8 = vector.extract_strided_slice %get3A_6 {offsets = [1, 0], sizes = [1, 4096], strides = [1, 1]} : vector<8x4096xf32> to vector<1x4096xf32>
    %slice3A_9 = vector.extract_strided_slice %get3A_6 {offsets = [1, 0], sizes = [1, 4096], strides = [1, 1]} : vector<8x4096xf32> to vector<1x4096xf32>
    %mul3A_10 = arith.mulf %slice3A_8, %slice3A_9 : vector<1x4096xf32>
    %add3A = arith.addf %mul3A, %mul3A_10 : vector<1x4096xf32>
    %slice3A_11 = vector.extract_strided_slice %get3A_6 {offsets = [2, 0], sizes = [1, 4096], strides = [1, 1]} : vector<8x4096xf32> to vector<1x4096xf32>
    %slice3A_12 = vector.extract_strided_slice %get3A_6 {offsets = [2, 0], sizes = [1, 4096], strides = [1, 1]} : vector<8x4096xf32> to vector<1x4096xf32>
    %mul3A_13 = arith.mulf %slice3A_11, %slice3A_12 : vector<1x4096xf32>
    %add3A_14 = arith.addf %add3A, %mul3A_13 : vector<1x4096xf32>
    %slice3A_15 = vector.extract_strided_slice %get3A_1 {offsets = [0, 0], sizes = [256, 1], strides = [1, 1]} : vector<256x8xf32> to vector<256x1xf32>
    %slice3A_16 = vector.extract_strided_slice %get3A_1 {offsets = [0, 0], sizes = [256, 1], strides = [1, 1]} : vector<256x8xf32> to vector<256x1xf32>
    %mul3A_17 = arith.mulf %slice3A_15, %slice3A_16 : vector<256x1xf32>
    %slice3A_18 = vector.extract_strided_slice %get3A_1 {offsets = [0, 1], sizes = [256, 1], strides = [1, 1]} : vector<256x8xf32> to vector<256x1xf32>
    %slice3A_19 = vector.extract_strided_slice %get3A_1 {offsets = [0, 1], sizes = [256, 1], strides = [1, 1]} : vector<256x8xf32> to vector<256x1xf32>
    %mul3A_20 = arith.mulf %slice3A_18, %slice3A_19 : vector<256x1xf32>
    %add3A_21 = arith.addf %mul3A_17, %mul3A_20 : vector<256x1xf32>
    %slice3A_22 = vector.extract_strided_slice %get3A_1 {offsets = [0, 2], sizes = [256, 1], strides = [1, 1]} : vector<256x8xf32> to vector<256x1xf32>
    %slice3A_23 = vector.extract_strided_slice %get3A_1 {offsets = [0, 2], sizes = [256, 1], strides = [1, 1]} : vector<256x8xf32> to vector<256x1xf32>
    %mul3A_24 = arith.mulf %slice3A_22, %slice3A_23 : vector<256x1xf32>
    %add3A_25 = arith.addf %add3A_21, %mul3A_24 : vector<256x1xf32>
    %mul3A_26 = arith.constant -2.000000e+00 : f32
    %mul3A_27 = vector.broadcast %mul3A_26 : f32 to vector<256x8xf32>
    %mul3A_28 = arith.mulf %mul3A_27, %get3A_1 : vector<256x8xf32>
    %convert_element_type3A = arith.truncf %mul3A_28 : vector<256x8xf32> to vector<256x8xbf16>
    %convert_element_type3A_29 = arith.truncf %get3A_6 : vector<8x4096xf32> to vector<8x4096xbf16>
    %dot_general3A = arith.constant dense<0.000000e+00> : vector<256x4096xf32>
    %dot_general3A_30 = tpu.matmul %convert_element_type3A, %convert_element_type3A_29, %dot_general3A {dimension_numbers = #tpu.dot_dimension_numbers<[1], [0], [0], [1], [0, 0, 1, 1], [], []>, transpose_lhs_hint = false} : vector<256x8xbf16>, vector<8x4096xbf16>, vector<256x4096xf32> -> vector<256x4096xf32>
    %add3A_31 = vector.broadcast %add3A_14 : vector<1x4096xf32> to vector<256x4096xf32>
    %add3A_32 = vector.broadcast %add3A_25 : vector<256x1xf32> to vector<256x4096xf32>
    %add3A_33 = arith.addf %add3A_31, %add3A_32 : vector<256x4096xf32>
    %add3A_34 = arith.addf %add3A_33, %dot_general3A_30 : vector<256x4096xf32>
    %reduce_min3A = arith.constant dense<0x7F800000> : vector<256xf32>
    %reduce_min3A_35 = vector.multi_reduction <minimumf>, %add3A_34, %reduce_min3A [1] : vector<256x4096xf32> to vector<256xf32>
    %broadcast_in_dim3A = vector.shape_cast %reduce_min3A_35 : vector<256xf32> to vector<256x1xf32>
    %max3A = arith.constant 0.000000e+00 : f32
    %max3A_36 = vector.broadcast %max3A : f32 to vector<256x1xf32>
    %max3A_37 = arith.maximumf %broadcast_in_dim3A, %max3A_36 : vector<256x1xf32>
    %iota3A = tpu.iota {dimensions = array<i32: 1>} : vector<1x4096xi32>
    %convert_element_type3A_38 = arith.sitofp %iota3A : vector<1x4096xi32> to vector<1x4096xf32>
    %le3A = vector.broadcast %max3A_37 : vector<256x1xf32> to vector<256x4096xf32>
    %le3A_39 = arith.cmpf ole, %add3A_34, %le3A : vector<256x4096xf32>
    %jit3A = arith.constant 4.096000e+03 : f32
    %broadcast_in_dim3A_40 = vector.shape_cast %convert_element_type3A_38 : vector<1x4096xf32> to vector<1x4096xf32>
    %broadcast_in_dim3A_41 = vector.broadcast %broadcast_in_dim3A_40 : vector<1x4096xf32> to vector<256x4096xf32>
    %broadcast_in_dim3A_42 = vector.broadcast %jit3A : f32 to vector<256x4096xf32>
    %select_n3A = arith.select %le3A_39, %broadcast_in_dim3A_41, %broadcast_in_dim3A_42 : vector<256x4096xi1>, vector<256x4096xf32>
    %reduce_min3A_43 = arith.constant dense<0x7F800000> : vector<256xf32>
    %reduce_min3A_44 = vector.multi_reduction <minimumf>, %select_n3A, %reduce_min3A_43 [1] : vector<256x4096xf32> to vector<256xf32>
    %squeeze3A = vector.shape_cast %broadcast_in_dim3A : vector<256x1xf32> to vector<256xf32>
    %max3A_45 = arith.constant 9.99999996E-13 : f32
    %max3A_46 = vector.broadcast %max3A_45 : f32 to vector<256xf32>
    %max3A_47 = arith.maximumf %squeeze3A, %max3A_46 : vector<256xf32>
    %sqrt3A = math.sqrt %max3A_47 : vector<256xf32>
    %swap3A = arith.constant 0 : index
    %swap3A_48 = arith.constant 0 : index
    %swap3A_49 = arith.constant 0 : index
    %swap3A_50 = vector.load %arg4[%swap3A, %swap3A_48, %swap3A_49] : memref<1x1x256xf32, #tpu.memory_space<vmem>>, vector<1x1x256xf32>
    %swap3A_51 = vector.shape_cast %swap3A_50 : vector<1x1x256xf32> to vector<256xf32>
    %swap3A_52 = vector.shape_cast %sqrt3A : vector<256xf32> to vector<1x1x256xf32>
    tpu.vector_store %arg4[%swap3A, %swap3A_48, %swap3A_49], %swap3A_52 {strides = array<i32>} : memref<1x1x256xf32, #tpu.memory_space<vmem>>, vector<1x1x256xf32>,
    %convert_element_type3A_53 = arith.fptosi %reduce_min3A_44 : vector<256xf32> to vector<256xi32>
    %mul3A_54 = arith.constant 4096 : i32
    %mul3A_55 = arith.muli %arg0, %mul3A_54 : i32
    %add3A_56 = vector.broadcast %mul3A_55 : i32 to vector<256xi32>
    %add3A_57 = arith.addi %convert_element_type3A_53, %add3A_56 : vector<256xi32>
    %swap3A_58 = arith.constant 0 : index
    %swap3A_59 = arith.constant 0 : index
    %swap3A_60 = arith.constant 0 : index
    %swap3A_61 = vector.load %arg5[%swap3A_58, %swap3A_59, %swap3A_60] : memref<1x1x256xi32, #tpu.memory_space<vmem>>, vector<1x1x256xi32>
    %swap3A_62 = vector.shape_cast %swap3A_61 : vector<1x1x256xi32> to vector<256xi32>
    %swap3A_63 = vector.shape_cast %add3A_57 : vector<256xi32> to vector<1x1x256xi32>
    tpu.vector_store %arg5[%swap3A_58, %swap3A_59, %swap3A_60], %swap3A_63 {strides = array<i32>} : memref<1x1x256xi32, #tpu.memory_space<vmem>>, vector<1x1x256xi32>,
    return
  }
  func.func @transform_0(%arg0: i32, %arg1: i32) -> (i32, i32) {
    %c0_i32 = arith.constant 0 : i32
    %c0_i32_0 = arith.constant 0 : i32
    return %arg1, %c0_i32 : i32, i32
  }
  func.func @transform_1(%arg0: i32, %arg1: i32) -> (i32, i32, i32) {
    %c0_i32 = arith.constant 0 : i32
    %c0_i32_0 = arith.constant 0 : i32
    %c0_i32_1 = arith.constant 0 : i32
    return %arg0, %c0_i32, %c0_i32_0 : i32, i32, i32
  }
  func.func @transform_2(%arg0: i32, %arg1: i32) -> (i32, i32, i32) {
    %mul3A = arith.constant 16 : i32
    %mul3A_0 = arith.muli %arg0, %mul3A : i32
    %add3A = arith.addi %mul3A_0, %arg1 : i32
    %c0_i32 = arith.constant 0 : i32
    %c0_i32_1 = arith.constant 0 : i32
    %c0_i32_2 = arith.constant 0 : i32
    return %add3A, %c0_i32, %c0_i32_1 : i32, i32, i32
  }
  func.func @transform_3(%arg0: i32, %arg1: i32) -> (i32, i32, i32) {
    %mul3A = arith.constant 16 : i32
    %mul3A_0 = arith.muli %arg0, %mul3A : i32
    %add3A = arith.addi %mul3A_0, %arg1 : i32
    %c0_i32 = arith.constant 0 : i32
    %c0_i32_1 = arith.constant 0 : i32
    %c0_i32_2 = arith.constant 0 : i32
    return %add3A, %c0_i32, %c0_i32_1 : i32, i32, i32
  }
}

module attributes {stable_mosaic.version = 14 : i64} {
  func.func @_mlp_body(%arg0: memref<8x4096xf32, #tpu.memory_space<vmem>>, %arg1: memref<8x12288xf32, #tpu.memory_space<vmem>>, %arg2: memref<1x12288xf32, #tpu.memory_space<vmem>>, %arg3: memref<16384x512xbf16, #tpu.memory_space<vmem>>, %arg4: memref<1x512xf32, #tpu.memory_space<vmem>>, %arg5: memref<512x256xbf16, #tpu.memory_space<vmem>>, %arg6: memref<1x256xf32, #tpu.memory_space<vmem>>, %arg7: memref<256x256xbf16, #tpu.memory_space<vmem>>, %arg8: memref<1x256xf32, #tpu.memory_space<vmem>>, %arg9: memref<8x256xf32, #tpu.memory_space<vmem>>, %arg10: memref<8x16384xf32, #tpu.memory_space<vmem>>) attributes {dimension_semantics = [], scalar_prefetch = 0 : i64, scratch_operands = 0 : i64, tpu.core_type = #tpu.core_type<tc>} {
    %get3A = arith.constant 0 : index
    %get3A_0 = arith.constant 0 : index
    %get3A_1 = vector.load %arg0[%get3A, %get3A_0] : memref<8x4096xf32, #tpu.memory_space<vmem>>, vector<8x4096xf32>
    %get3A_2 = arith.constant 0 : index
    %get3A_3 = arith.constant 0 : index
    %get3A_4 = vector.load %arg1[%get3A_2, %get3A_3] : memref<8x12288xf32, #tpu.memory_space<vmem>>, vector<8x12288xf32>
    %get3A_5 = arith.constant 0 : index
    %get3A_6 = arith.constant 0 : index
    %get3A_7 = vector.load %arg2[%get3A_5, %get3A_6] : memref<1x12288xf32, #tpu.memory_space<vmem>>, vector<1x12288xf32>
    %sub3A = vector.broadcast %get3A_7 : vector<1x12288xf32> to vector<8x12288xf32>
    %sub3A_8 = arith.subf %get3A_4, %sub3A : vector<8x12288xf32>
    %concatenate3A = tpu.concatenate %get3A_1, %sub3A_8 in 1 : vector<8x4096xf32>, vector<8x12288xf32> -> vector<8x16384xf32>
    %swap3A = arith.constant 0 : index
    %swap3A_9 = arith.constant 0 : index
    %swap3A_10 = vector.load %arg10[%swap3A, %swap3A_9] : memref<8x16384xf32, #tpu.memory_space<vmem>>, vector<8x16384xf32>
    tpu.vector_store %arg10[%swap3A, %swap3A_9], %concatenate3A {strides = array<i32>} : memref<8x16384xf32, #tpu.memory_space<vmem>>, vector<8x16384xf32>,
    %convert_element_type3A = arith.truncf %concatenate3A : vector<8x16384xf32> to vector<8x16384xbf16>
    %get3A_11 = arith.constant 0 : index
    %get3A_12 = arith.constant 0 : index
    %get3A_13 = vector.load %arg3[%get3A_11, %get3A_12] : memref<16384x512xbf16, #tpu.memory_space<vmem>>, vector<16384x512xbf16>
    %dot_general3A = arith.constant dense<0.000000e+00> : vector<8x512xf32>
    %dot_general3A_14 = tpu.matmul %convert_element_type3A, %get3A_13, %dot_general3A {dimension_numbers = #tpu.dot_dimension_numbers<[1], [0], [0], [1], [0, 0, 1, 1], [], []>, transpose_lhs_hint = false} : vector<8x16384xbf16>, vector<16384x512xbf16>, vector<8x512xf32> -> vector<8x512xf32>
    %get3A_15 = arith.constant 0 : index
    %get3A_16 = arith.constant 0 : index
    %get3A_17 = vector.load %arg4[%get3A_15, %get3A_16] : memref<1x512xf32, #tpu.memory_space<vmem>>, vector<1x512xf32>
    %add3A = vector.broadcast %get3A_17 : vector<1x512xf32> to vector<8x512xf32>
    %add3A_18 = arith.addf %dot_general3A_14, %add3A : vector<8x512xf32>
    %ge3A = arith.constant 0.000000e+00 : f32
    %ge3A_19 = vector.broadcast %ge3A : f32 to vector<8x512xf32>
    %ge3A_20 = arith.cmpf oge, %add3A_18, %ge3A_19 : vector<8x512xf32>
    %mul3A = arith.constant 2.000000e-01 : f32
    %mul3A_21 = vector.broadcast %mul3A : f32 to vector<8x512xf32>
    %mul3A_22 = arith.mulf %mul3A_21, %add3A_18 : vector<8x512xf32>
    %select_n3A = arith.select %ge3A_20, %add3A_18, %mul3A_22 : vector<8x512xi1>, vector<8x512xf32>
    %convert_element_type3A_23 = arith.truncf %select_n3A : vector<8x512xf32> to vector<8x512xbf16>
    %get3A_24 = arith.constant 0 : index
    %get3A_25 = arith.constant 0 : index
    %get3A_26 = vector.load %arg5[%get3A_24, %get3A_25] : memref<512x256xbf16, #tpu.memory_space<vmem>>, vector<512x256xbf16>
    %dot_general3A_27 = arith.constant dense<0.000000e+00> : vector<8x256xf32>
    %dot_general3A_28 = tpu.matmul %convert_element_type3A_23, %get3A_26, %dot_general3A_27 {dimension_numbers = #tpu.dot_dimension_numbers<[1], [0], [0], [1], [0, 0, 1, 1], [], []>, transpose_lhs_hint = false} : vector<8x512xbf16>, vector<512x256xbf16>, vector<8x256xf32> -> vector<8x256xf32>
    %get3A_29 = arith.constant 0 : index
    %get3A_30 = arith.constant 0 : index
    %get3A_31 = vector.load %arg6[%get3A_29, %get3A_30] : memref<1x256xf32, #tpu.memory_space<vmem>>, vector<1x256xf32>
    %add3A_32 = vector.broadcast %get3A_31 : vector<1x256xf32> to vector<8x256xf32>
    %add3A_33 = arith.addf %dot_general3A_28, %add3A_32 : vector<8x256xf32>
    %ge3A_34 = arith.constant 0.000000e+00 : f32
    %ge3A_35 = vector.broadcast %ge3A_34 : f32 to vector<8x256xf32>
    %ge3A_36 = arith.cmpf oge, %add3A_33, %ge3A_35 : vector<8x256xf32>
    %mul3A_37 = arith.constant 2.000000e-01 : f32
    %mul3A_38 = vector.broadcast %mul3A_37 : f32 to vector<8x256xf32>
    %mul3A_39 = arith.mulf %mul3A_38, %add3A_33 : vector<8x256xf32>
    %select_n3A_40 = arith.select %ge3A_36, %add3A_33, %mul3A_39 : vector<8x256xi1>, vector<8x256xf32>
    %convert_element_type3A_41 = arith.truncf %select_n3A_40 : vector<8x256xf32> to vector<8x256xbf16>
    %get3A_42 = arith.constant 0 : index
    %get3A_43 = arith.constant 0 : index
    %get3A_44 = vector.load %arg7[%get3A_42, %get3A_43] : memref<256x256xbf16, #tpu.memory_space<vmem>>, vector<256x256xbf16>
    %dot_general3A_45 = arith.constant dense<0.000000e+00> : vector<8x256xf32>
    %dot_general3A_46 = tpu.matmul %convert_element_type3A_41, %get3A_44, %dot_general3A_45 {dimension_numbers = #tpu.dot_dimension_numbers<[1], [0], [0], [1], [0, 0, 1, 1], [], []>, transpose_lhs_hint = false} : vector<8x256xbf16>, vector<256x256xbf16>, vector<8x256xf32> -> vector<8x256xf32>
    %get3A_47 = arith.constant 0 : index
    %get3A_48 = arith.constant 0 : index
    %get3A_49 = vector.load %arg8[%get3A_47, %get3A_48] : memref<1x256xf32, #tpu.memory_space<vmem>>, vector<1x256xf32>
    %add3A_50 = vector.broadcast %get3A_49 : vector<1x256xf32> to vector<8x256xf32>
    %add3A_51 = arith.addf %dot_general3A_46, %add3A_50 : vector<8x256xf32>
    %swap3A_52 = arith.constant 0 : index
    %swap3A_53 = arith.constant 0 : index
    %swap3A_54 = vector.load %arg9[%swap3A_52, %swap3A_53] : memref<8x256xf32, #tpu.memory_space<vmem>>, vector<8x256xf32>
    tpu.vector_store %arg9[%swap3A_52, %swap3A_53], %add3A_51 {strides = array<i32>} : memref<8x256xf32, #tpu.memory_space<vmem>>, vector<8x256xf32>,
    return
  }
}

</mosaic_0001>

<sc_bundles>
// kernel: kernel.5.cloned.1.call-start
scs
__scs_entry_jumppad:
0x0: {  	(pc) =	sbr.rel $0x88, $3  }
0x1: {  	(tag) =	ssettag $0x0;
	lr =	simm.s32 $0x1  }
0x2: {  	[smem:$0x3F99] =	sst lr;
	_ =	strace $0xD0000000  }
0x3: {  	_ = 	snop  }
0x4: {  	_ = 	snop  }
0x5: {  	_ = 	snop  }
0x6: {  	_ = 	snop  }
0x7: {  	_ = 	snop  }
__scs_overlays_trampoline_lowered:
0x8: {  	[smem:$0x3FA8] =	sst s0  }
0x9: {  	[smem:$0x3FA9] =	sst s1  }
0xa: {  	[smem:$0x3FAA] =	sst s2  }
0xb: {  	[smem:$0x3FAB] =	sst s3  }
0xc: {  	[smem:$0x3FAC] =	sst s4  }
0xd: {  	[smem:$0x3FAD] =	sst s5  }
0xe: {  	[smem:$0x3FAE] =	sst s6  }
0xf: {  	[smem:$0x3FAF] =	sst s7  }
0x10: {  	[smem:$0x3FB0] =	sst s8  }
0x11: {  	[smem:$0x3FB1] =	sst s9;
	s0 =	simm.s32 @!p0 $0x0  }
0x12: {  	s1 =	sld [smem:$0x3F97];
	s0 =	simm.s32 @p0 $0x1  }
0x13: {  	[smem:$0x3FB2] =	sst s0;
	s0 =	simm.s32 @!p1 $0x0  }
0x14: {  	s2 =	sld [smem:$0x3F96];
	s0 =	simm.s32 @p1 $0x1  }
0x15: {  	[smem:$0x3FB3] =	sst s0;
	s0 =	simm.s32 @!p2 $0x0  }
0x16: {  	s3 =	sld [smem:$0x3FDB];
	s0 =	simm.s32 @p2 $0x1  }
0x17: {  	s4 =	simm.s32 $0x1BF5;
	[smem:$0x3FB5] =	sst s0  }
0x18: {  	s0 =	sld [smem:$0x3F98];
	_ =	swait.ge [sflag:s4], $0x0  }
0x19: {  	s7 =	sld [smem:$0x3F99]  }
0x1a: {  	s8 =	sadd.s32 $0xFFFFE003, lr  }
0x1b: {  	s9 =	sadd.s32 $0xFFFFFEF7, lr;
	s5 =	simm.s32 $0xFFFFFFFF;
	p2 =	slt.u32 s8, $0xFFFFF086  }
0x1c: {  	p1 =	slt.u32 s9, $0xF7A;
	s5 =	simm.s32 @!p2 $0x0  }
0x1d: {  	s5 =	simm.s32 @p1 $0x1;
	p0 =	seq.s32 s7, s2  }
0x1e: {  	s7 =	smul.u32 @!p0 $0xF7A, s2;
	p2 =	seq.s32 @!p0 s5, $0x0  }
0x1f: {  	s9 =	smul.u32 $0xF7A, s1;
	s8 =	simm.s32 @!p0 $0x1BF5;
	p2 =	por !p2, p0  }
0x20: {  	[sflag:s8] =	ssyncset.s32 @!p0 $0xFFFFF086;
	s6 =	sadd.s32 @!p0 s3, s7;
	s7 =	simm.s32 @!p0 $0x108  }
0x21: {  	s3 =	sadd.s32 s3, s9;
	s6 =	sadd.s32 @!p0 $0x88, s6;
	s7 =	simm.s32 @p2 $0x1082  }
0x22: {  	[simem:s7], [sflag:s8] =	dma.local @!p0 [hbm:s6], $0xF7A  }
0x23: {  	s9 =	sor.u32 $0xD0000000, s2;
	s6 =	simm.s32 $0x108;
	_ =	swait.ge @!p0 [sflag:s8], $0x0  }
0x24: {  	s3 =	sadd.s32 $0x88, s3;
	s6 =	simm.s32 @!p1 $0x1082;
	[sflag:s4] =	ssyncset.s32 $0xFFFFF086  }
0x25: {  	[simem:s6], [sflag:s4] =	dma.local [hbm:s3], $0xF7A  }
0x26: {  	[smem:$0x3F99] =	sst s1;
	(tag) =	ssettag s2;
	_ =	strace s9  }
0x27: {  	s1 =	sld [smem:$0x3FA9]  }
0x28: {  	s2 =	sld [smem:$0x3FAA]  }
0x29: {  	s4 =	sld [smem:$0x3FAC]  }
0x2a: {  	p0 =	seq.s32 s5, $0x0;
	s5 =	sld [smem:$0x3FAD]  }
0x2b: {  	s6 =	sld [smem:$0x3FAE]  }
0x2c: {  	s7 =	sld [smem:$0x3FAF]  }
0x2d: {  	s3 =	simm.s32 $0x108;
	s8 =	sld [smem:$0x3FB0]  }
0x2e: {  	s3 =	simm.s32 @!p0 $0x1082;
	s9 =	sld [smem:$0x3FB1]  }
0x2f: {  	lr =	sadd.s32 s0, s3;
	s0 =	sld [smem:$0x3FA8]  }
0x30: {  	s3 =	sld [smem:$0x3FAB]  }
0x31: {  	[smem:$0x3FB4] =	sst s10  }
0x32: {  	s10 =	sld [smem:$0x3FB2];
	_ =	sdelay $0x3  }
0x33: {  	p0 =	seq.s32 s10, $0x1;
	s10 =	sld [smem:$0x3FB4];
	_ =	sdelay $0x3  }
0x34: {  	[smem:$0x3FB4] =	sst s10  }
0x35: {  	s10 =	sld [smem:$0x3FB3];
	_ =	sdelay $0x3  }
0x36: {  	p1 =	seq.s32 s10, $0x1;
	s10 =	sld [smem:$0x3FB4];
	_ =	sdelay $0x3  }
0x37: {  	[smem:$0x3FB4] =	sst s10  }
0x38: {  	s10 =	sld [smem:$0x3FB5]  }
0x39: {  	_ = 	snop;
	(pc) =	sbr.ind lr, $3  }
0x3a: {  	_ = 	snop  }
0x3b: {  	_ = 	snop  }
0x3c: {  	p2 =	seq.s32 s10, $0x1;
	s10 =	sld [smem:$0x3FB4]  }
0x3d: {  	_ =	shalt  }
0x3e: {  	_ =	shalt  }
0x3f: {  	_ =	shalt  }
0x40: {  	_ =	shalt  }
0x41: {  	_ =	shalt  }
0x42: {  	_ =	shalt  }
0x43: {  	_ =	shalt  }
0x44: {  	_ =	shalt  }
0x45: {  	_ =	shalt  }
0x46: {  	_ =	shalt  }
0x47: {  	_ =	shalt  }
0x48: {  	_ =	shalt  }
0x49: {  	_ =	shalt  }
0x4a: {  	_ =	shalt  }
0x4b: {  	_ =	shalt  }
0x4c: {  	_ =	shalt  }
0x4d: {  	_ =	shalt  }
0x4e: {  	_ =	shalt  }
0x4f: {  	_ =	shalt  }
0x50: {  	_ =	shalt  }
0x51: {  	_ =	shalt  }
0x52: {  	_ =	shalt  }
0x53: {  	_ =	shalt  }
0x54: {  	_ =	shalt  }
0x55: {  	_ =	shalt  }
0x56: {  	_ =	shalt  }
0x57: {  	_ =	shalt  }
0x58: {  	_ =	shalt  }
0x59: {  	_ =	shalt  }
0x5a: {  	_ =	shalt  }
0x5b: {  	_ =	shalt  }
0x5c: {  	_ =	shalt  }
0x5d: {  	_ =	shalt  }
0x5e: {  	_ =	shalt  }
0x5f: {  	_ =	shalt  }
0x60: {  	_ =	shalt  }
0x61: {  	_ =	shalt  }
0x62: {  	_ =	shalt  }
0x63: {  	_ =	shalt  }
0x64: {  	_ =	shalt  }
0x65: {  	_ =	shalt  }
0x66: {  	_ =	shalt  }
0x67: {  	_ =	shalt  }
0x68: {  	_ =	shalt  }
0x69: {  	_ =	shalt  }
0x6a: {  	_ =	shalt  }
0x6b: {  	_ =	shalt  }
0x6c: {  	_ =	shalt  }
0x6d: {  	_ =	shalt  }
0x6e: {  	_ =	shalt  }
0x6f: {  	_ =	shalt  }
0x70: {  	_ =	shalt  }
0x71: {  	_ =	shalt  }
0x72: {  	_ =	shalt  }
0x73: {  	_ =	shalt  }
0x74: {  	_ =	shalt  }
0x75: {  	_ =	shalt  }
0x76: {  	_ =	shalt  }
0x77: {  	_ =	shalt  }
0x78: {  	_ =	shalt  }
0x79: {  	_ =	shalt  }
0x7a: {  	_ =	shalt  }
0x7b: {  	_ =	shalt  }
0x7c: {  	_ =	shalt  }
0x7d: {  	_ =	shalt  }
0x7e: {  	_ =	shalt  }
0x7f: {  	_ =	shalt  }
0x80: {  	_ =	shalt  }
0x81: {  	_ =	shalt  }
0x82: {  	_ =	shalt  }
0x83: {  	_ =	shalt  }
0x84: {  	_ =	shalt  }
0x85: {  	_ =	shalt  }
0x86: {  	_ =	shalt  }
0x87: {  	_ =	shalt  }
.Lfunc_end0:
.L_simem_size_0:
called_computation_lowered:
.L_overlay_start_0:
0x88: {  	s2 =	sld [smem:$0x3FD9]  }
0x89: {  	s3 =	sld [smem:$0x3FFE];
	_ =	sdelay $0x1  }
0x8a: {  	s1 =	srdreg.scid  }
0x8b: {  	s0 =	sand.u32 $0x1, s1  }
0x8c: {  	s14 =	sshll.u32 s0, $0xA;
	s2 =	sadd.s32 s3, s2  }
0x8d: {  	s2 =	sadd.s32 s2, s14  }
0x8e: {  	[smem:$0x3FC0] =	sst s2  }
0x8f: {  	_ = 	snop  }
0x90: {  	s2 =	sld [smem:$0x3FD0];
	_ =	sdelay $0x2  }
0x91: {  	s15 =	simm.s32 $0xA;
	s4 =	simm.s32 $0x10  }
0x92: {  	[smem:s4], [sflag:s15] =	dma.local [hbm:s2], $0x1  }
0x93: {  	_ =	swait.eq [sflag:s15], $0x1  }
0x94: {  	[sflag:s15] =	ssyncset.done $0x0  }
0x95: {  	[sflag:s15] =	ssyncadd.s32 $0xFFFFFFFF  }
0x96: {  	s16 =	sld [smem:$0x11];
	(tm) =	ssettm $0x1  }
0x97: {  	s17 =	sld [smem:$0x3FFB];
	_ =	sdelay $0x3  }
0x98: {  	_ =	strace s17  }
0x99: {  	s3 =	sld [smem:$0x3FFC];
	_ =	sdelay $0x3  }
0x9a: {  	_ =	strace s3  }
0x9b: {  	s3 =	sld [smem:$0x3FFD];
	_ =	sdelay $0x3  }
0x9c: {  	_ =	strace s3  }
0x9d: {  	_ =	strace $0x8FFFFFFF  }
0x9e: {  	s18 =	sld [smem:$0x3FDB];
	_ =	sdelay $0x1  }
0x9f: {  	s19 =	simm.s32 $_scs_section_size  }
0xa0: {  	s5 =	simm.s32 $_size__tile_overlayer_lowered;
	s6 =	simm.s32 $_tile_overlayer_lowered  }
0xa1: {  	s22 =	simm.s32 $0x1BFF;
	s21 =	sshll.u32 s6, $0x1;
	s3 =	sadd.s32 s19, s18  }
0xa2: {  	s7 =	simm.s32 $0x0;
	s20 =	sshll.u32 s5, $0x1;
	s5 =	sadd.s32 s21, s3  }
0xa3: {  	[timem:s7], [sflag:s22] =	dma.local [hbm:s5], s20  }
0xa4: {  	_ =	swait.ge [sflag:s22], s20  }
0xa5: {  	s4 =	ssub.s32 $0x0, s20;
	[sflag:s22] =	ssyncset.done $0x0  }
0xa6: {  	[sflag:s22] =	ssyncadd.s32 s4;
	_ =	sdelay $0x1  }
0xa7: {  	s23 =	simm.s32 $0x1B8B  }
0xa8: {  	_ =	swait.ge [sflag:s23], $0x1  }
0xa9: {  	[sflag:s23] =	ssyncset.done $0x0  }
0xaa: {  	s25 =	simm.s32 $0x1B8E;
	s24 =	sld [smem:$0x3FFE];
	[sflag:s23] =	ssyncadd.s32 $0xFFFFFFFF  }
0xab: {  	s26 =	simm.s32 $execute0_lowered;
	[smem:$0x3FD2] =	sst s25  }
0xac: {  	s5 =	sshll.u32 s26, $0x1;
	_ =	strace $0x80000046;
	[dreg:$0x1] =	wrdreg $0xFFFFFFFF  }
0xad: {  	s28 =	simm.s32 $_size_execute0_lowered;
	s3 =	sadd.s32 s3, s5;
	[dreg:$0x0] =	wrdreg $0x0  }
0xae: {  	s5 =	sshll.u32 s28, $0x1;
	[dreg:$0x2] =	wrdreg s3  }
0xaf: {  	[dreg:$0x3] =	wrdreg s5  }
0xb0: {  	[dreg:$0x4] =	wrdreg $0xC0  }
0xb1: {  	_ =	task [dreg:s7], $0x5FFFF  }
0xb2: {  	[dreg:$0x1] =	wrdreg $0xFFFFFFFF  }
0xb3: {  	[dreg:$0x0] =	wrdreg $0x60  }
0xb4: {  	[dreg:$0x2] =	wrdreg s24  }
0xb5: {  	[dreg:$0x3] =	wrdreg s16  }
0xb6: {  	[dreg:$0x4] =	wrdreg $0x9  }
0xb7: {  	_ =	task.clear_ibuf [dreg:s7], $0x5FFFF;
	_ =	strace $0x90000046  }
0xb8: {  	s29 =	simm.s32 $0x9;
	_ =	strace $0x80000048  }
0xb9: {  	_ =	swait.ge [sflag:s29], $0x1  }
0xba: {  	[sflag:s29] =	ssyncadd.s32 $0xFFFFFFFF  }
0xbb: {  	_ =	strace $0x90000048  }
0xbc: {  	_ =	sfence  }
0xbd: {  	s30 =	sld [smem:$0x0];
	_ =	sdelay $0x2  }
0xbe: {  	s31 =	sshll.u32 s1, $0xD;
	s1 =	sshrl.u32 s1, $0x2  }
0xbf: {  	s3 =	sand.u32 $0x4000, s31;
	s1 =	sadd.s32 s1, s30  }
0xc0: {  	s0 =	sor.u32 s3, s0;
	s1 =	sshll.u32 s1, $0x11  }
0xc1: {  	s0 =	sor.u32 s1, s0  }
0xc2: {  	s0 =	sadd.s32 $0x8F2B, s0  }
0xc3: {  	[sflag:s0] =	ssyncadd.remote.s32 $0x1  }
0xc4: {  	_ =	sfence.sel $0xFFFF  }
0xc5: {  	[dreg:$0x0] =	wrdreg $0xFFFFFFFF;
	(pc) =	sbr.abs _section_cstart, $3  }
0xc6: {  	[dreg:$0x1] =	wrdreg $0xFFFFFFFF  }
0xc7: {  	_ =	task.clear_ibuf [dreg:s7], $0x2FFFF;
	_ =	strace $0x9FFFFFFF  }
0xc8: {  	(tm) =	ssettm $0x7FFFFFFF  }
0xc9: {  	_ =	shalt  }
tec
execute0_lowered:
.L_overlay_start_1:
0x0: {  	(tag) =	ssettag $0x1  }
0x1: {  	s1 =	srdreg.scid  }
0x2: {  	s8 =	rddreg [dreg:$0x0];
	s0 =	stileid.u32  }
0x3: {  	s3 =	rddreg [dreg:$0x1];
	s2 =	simm.s32 $0x0;
	s6 =	sand.u32 $0x1, s1  }
0x4: {  	s4 =	sshll.u32 s0, $0xA;
	s1 =	rddreg [dreg:$0x2];
	s5 =	sshll.u32 s6, $0x9  }
0x5: {  	s7 =	simm.s32 $0x1;
	[smem:$0x7FF] =	sst s2;
	s9 =	sor.u32 s5, s4  }
0x6: {  	_ =	strace $0x80000047;
	s10 =	ssub.s32 $0x2, s6;
	s4 =	sshrl.u32 s9, $0x3  }
0x7: {  	s6 =	simm.s32 $0x200;
	s4 =	sadd.s32 s3, s4;
	s3 =	simm.s32 $0x2  }
0x8: {  	[tilespmem:s2], [sflag:$0x2] =	stream.linear.gather [hbm4b:s4+s2], $0x200, $0x38;
	[tilespmem:$0x2200] =	vst v63  }
0x9: {  	s5 =	sadd.s32 $0x400, s8;
	s11 =	sshrl.u32 s10, $0x1;
	_ =	swait.ge [sflag:s3], $0x200  }
0xa: {  	s9 =	sshll.u32 s9, $0x1;
	s31 =	ssub.s32 s10, s11;
	[sflag:s3] =	ssyncset.done $0x0  }
0xb: {  	s8 =	sadd.s32 s9, s8;
	s9 =	smax.u32 s31, $0x1;
	[sflag:s3] =	ssyncadd.s32 $0xFFFFFE00  }
0xc: {  	[tilespmem:s6], [sflag:$0x1] =	stream.indirect.gather [hbm4b:s5+s6], $0x10, s2, s6, $0xb8;
	[tilespmem:$0x2200] =	vst v63  }
0xd: {  	p0 =	sne.s32 s9, $0x1;
	_ =	swait.ge [sflag:s7], $0x2000  }
.Ltmp0:
0xe: {  	[sflag:s7] =	ssyncset.done $0x0;
	(pc) =	sbr.rel @!p0 .LBB2_2-.Ltmp0, $4  }
0xf: {  	s8 =	sadd.s32 $0x8400, s8;
	[sflag:s7] =	ssyncadd.s32 $0xFFFFE000  }
0x10: {  	[hbm4b:s8+s2] =	stream.linear.scatter [tilespmem:s6], [sflag:$0x2], $0x2000, $0x38;
	[tilespmem:$0x2200] =	vst v63  }
0x11: {  	_ =	swait.ge [sflag:s3], $0x2000  }
0x12: {  	s9 =	sadd.s32 $0xFFFFFFFF, s9;
	[sflag:s3] =	ssyncset.done $0x0  }
.LBB2_1:
0x13: {  	p0 =	sne.s32 s9, $0x1;
	s9 =	sadd.s32 $0xFFFFFFFF, s9;
	[sflag:s3] =	ssyncadd.s32 $0xFFFFE000  }
0x14: {  	[tilespmem:s2], [sflag:$0x2] =	stream.linear.gather [hbm4b:s4+s2], $0x200, $0x38;
	[tilespmem:$0x2200] =	vst v63  }
0x15: {  	_ =	swait.ge [sflag:s3], $0x200  }
0x16: {  	[sflag:s3] =	ssyncset.done $0x0  }
0x17: {  	[sflag:s3] =	ssyncadd.s32 $0xFFFFFE00  }
0x18: {  	[tilespmem:s6], [sflag:$0x1] =	stream.indirect.gather [hbm4b:s5+s6], $0x10, s2, s6, $0xb8;
	[tilespmem:$0x2200] =	vst v63  }
0x19: {  	_ =	swait.ge [sflag:s7], $0x2000  }
.Ltmp1:
0x1a: {  	[sflag:s7] =	ssyncset.done $0x0;
	(pc) =	sbr.rel @p0 .LBB2_1-.Ltmp1, $4  }
0x1b: {  	[sflag:s7] =	ssyncadd.s32 $0xFFFFE000  }
0x1c: {  	[hbm4b:s8+s2] =	stream.linear.scatter [tilespmem:s6], [sflag:$0x2], $0x2000, $0x38;
	[tilespmem:$0x2200] =	vst v63  }
0x1d: {  	_ =	swait.ge [sflag:s3], $0x2000  }
0x1e: {  	[sflag:s3] =	ssyncset.done $0x0  }
.LBB2_2:
0x1f: {  	[sflag:s3] =	ssyncadd.s32 $0xFFFFE000  }
0x20: {  	_ =	sfence.sel $0x180000  }
0x21: {  	[bflag:$0x0] =	sbarrier.arrive $0xFFFF  }
0x22: {  	p0 =	sne.s32 s0, $0x0;
	_ =	strace $0x90000047  }
0x23: {  	s0 =	sadd.s32 @!p0 $0x100000, s1;
	[bflag:$0x2] =	sbarrier.arrive $0xFFFF  }
0x24: {  	[sflag:s0] =	ssyncadd.tile.s32 @!p0 $0x1;
	_ =	shalt  }
.Lfunc_end2:
_tile_overlayer_lowered:
.L_overlay_start_2:
0x25: {  	(tag) =	ssettag $0x2  }
0x26: {  	s0 =	rddreg [dreg:$0x0];
	s2 =	stileid.u32  }
0x27: {  	s1 =	rddreg [dreg:$0x1];
	p0 =	sne.s32 s2, $0x0  }
0x28: {  	s3 =	rddreg [dreg:$0x2];
	[bflag:$0x3] =	sbarrier.arrive $0xFFFF;
	s2 =	simm.s32 @!p0 $0x1C02  }
0x29: {  	[timem:s3], [sflag:s2] =	dma.local @!p0 [hbm:s0], s1  }
0x2a: {  	s0 =	simm.s32 @!p0 $0x2  }
0x2b: {  	_ =	swait.ge @!p0 [sflag:s0], s1  }
0x2c: {  	s1 =	ssub.s32 @!p0 $0x0, s1;
	[sflag:s0] =	ssyncset.done @!p0 $0x0  }
0x2d: {  	[sflag:s0] =	ssyncadd.s32 @!p0 s1  }
0x2e: {  	[bflag:$0x3] =	sbarrier.arrive $0xFFFF  }
0x2f: {  	_ =	shalt  }

</sc_bundles>
